<compile_context>
chip_gen: v7x
topology: tpu7x:2x2x1
jax: 0.10.2.dev20260603
libtpu: 0.0.44.dev20260713+nightly
codegen_flags: <defaults>
</compile_context>

<pallas_src>
import jax
import jax.numpy as jnp
from jax import lax
from jax.experimental import pallas as pl
from jax.experimental.pallas import tpu as pltpu
from jax.experimental.pallas import tpu_sc as plsc

NE = 1024
ED = 64
ROWS = 8 * 32 * 32
BLK = 1024
NSTEPS = ROWS // BLK
TOT = ROWS * ED


def _vq_body(zf_ref, emb_ref, idx_ref, loss_ref, perp_ref,
             counts_ref, dsum_ref):
    step = pl.program_id(0)
    zb = zf_ref[...]
    emb = emb_ref[...]
    z2 = jnp.sum(zb * zb, axis=1, keepdims=True)
    e2 = jnp.sum(emb * emb, axis=1)
    mmn = lax.dot_general(-2.0 * zb, emb, (((1,), (1,)), ((), ())),
                          preferred_element_type=jnp.float32)
    d = (z2 + e2[None, :]) + mmn
    dmin = jnp.min(d, axis=1, keepdims=True)
    iota_f = lax.broadcasted_iota(jnp.int32, d.shape, 1).astype(jnp.float32)
    onehot = jnp.where(d == dmin, iota_f, float(2 * NE))
    idx_f = jnp.min(onehot, axis=1, keepdims=True)
    idx = idx_f[:, 0].astype(jnp.int32)
    idx_ref[0, 0, :] = idx

    oneh = (idx_f == iota_f).astype(jnp.float32)
    hist = lax.dot_general(jnp.ones((1, BLK), jnp.float32), oneh,
                           (((1,), (0,)), ((), ())),
                           preferred_element_type=jnp.float32)[0]

    @pl.when(step == 0)
    def _init():
        counts_ref[...] = jnp.zeros_like(counts_ref)
        dsum_ref[0] = 0.0

    counts_ref[...] += hist[None, :]
    dsum_ref[0] += jnp.sum(dmin)

    @pl.when(step == NSTEPS - 1)
    def _finish():
        m = dsum_ref[0] / float(TOT)
        loss_ref[0, 0] = 0.25 * m + m
        p = counts_ref[0, :] * (1.0 / float(ROWS))
        ent = jnp.sum(p * jnp.log(p + 1e-10))
        perp_ref[0, 0] = jnp.exp(-ent)


_vq_call = pl.pallas_call(
    _vq_body,
    grid=(NSTEPS,),
    in_specs=[
        pl.BlockSpec((BLK, ED), lambda i: (i, 0)),
        pl.BlockSpec((NE, ED), lambda i: (0, 0)),
    ],
    out_specs=[
        pl.BlockSpec((1, 1, BLK), lambda i: (i, 0, 0)),
        pl.BlockSpec(memory_space=pltpu.SMEM, block_shape=(1, 1), index_map=lambda i: (0, 0)),
        pl.BlockSpec(memory_space=pltpu.SMEM, block_shape=(1, 1), index_map=lambda i: (0, 0)),
    ],
    out_shape=[
        jax.ShapeDtypeStruct((NSTEPS, 1, BLK), jnp.int32),
        jax.ShapeDtypeStruct((1, 1), jnp.float32),
        jax.ShapeDtypeStruct((1, 1), jnp.float32),
    ],
    scratch_shapes=[
        pltpu.VMEM((1, NE), jnp.float32),
        pltpu.SMEM((1,), jnp.float32),
    ],
    compiler_params=pltpu.CompilerParams(
        dimension_semantics=("arbitrary",),
    ),
)


_NC = 1
_NW = _NC * 16
_BPW = ROWS // _NW
_CHUNK = 128
_NCH = _BPW // _CHUNK


def _gather_body(emb_hbm, idx_hbm, out_hbm, idx_v, rows_v, sem):
    wid = lax.axis_index("s") * _NC + lax.axis_index("c")
    base = wid * _NCH
    pltpu.sync_copy(idx_hbm.at[pl.ds(base, _NCH)], idx_v)
    for j in range(_NCH):
        pltpu.async_copy(emb_hbm.at[idx_v.at[j]],
                         rows_v.at[pl.ds(j * _CHUNK, _CHUNK)], sem)
    for j in range(_NCH):
        pltpu.make_async_copy(emb_hbm.at[idx_v.at[j]],
                              rows_v.at[pl.ds(j * _CHUNK, _CHUNK)], sem).wait()
    pltpu.sync_copy(rows_v, out_hbm.at[pl.ds(wid * _BPW, _BPW)])


def _gather(embed, idx2d):
    call = pl.kernel(
        _gather_body,
        out_type=jax.ShapeDtypeStruct((ROWS, ED), jnp.float32),
        mesh=plsc.VectorSubcoreMesh(core_axis_name="c", subcore_axis_name="s",
                                    num_cores=_NC),
        scratch_types=[
            pltpu.VMEM((_NCH, _CHUNK), jnp.int32),
            pltpu.VMEM((_BPW, ED), jnp.float32),
            pltpu.SemaphoreType.DMA,
        ],
        compiler_params=pltpu.CompilerParams(use_tc_tiling_on_sc=False),
    )
    return call(embed, idx2d)


def kernel(z, embed):
    zf = jnp.transpose(z, (0, 2, 3, 1)).reshape(ROWS, ED)
    idx3, loss, perp = _vq_call(zf, embed)
    zq = _gather(embed, idx3.reshape(ROWS // _CHUNK, _CHUNK))
    zq_out = zq.reshape(8, 32, 32, ED).transpose(0, 3, 1, 2)
    indices = idx3.reshape(8, 32, 32)
    return zq_out, indices, loss[0, 0], perp[0, 0]

# --- scband reference (transcript-rebuilt; emitter-appended) ---
"""Pipeline reference for scband-vector-quantizer-90752658965214 (READ-ONLY COPY).

The authoritative reference and input builder live on the scoring server;
editing this copy changes nothing except your own understanding.
"""

import jax, jax.numpy as jnp
import numpy as np

N_EMBED = 1024
EMBED_DIM = 64
BETA = 0.25


def setup_inputs(seed: int = 0) -> dict:
    key = jax.random.key(seed)
    k1, k2 = jax.random.split(key)
    z = jax.random.normal(k1, (8, 64, 32, 32), dtype=jnp.float32)
    embed = jax.random.uniform(k2, (N_EMBED, EMBED_DIM), minval=-1.0 / N_EMBED, maxval=1.0 / N_EMBED, dtype=jnp.float32)
    return {"z": z, "embed": embed}


def reference(z, embed):
    # b c h w -> b h w c
    z_f = jnp.transpose(z, (0, 2, 3, 1))
    d = (jnp.sum(z_f ** 2, axis=-1, keepdims=True)
         + jnp.sum(embed ** 2, axis=1)
         - 2.0 * jnp.einsum('bhwc,nc->bhwn', z_f, embed))
    indices = jnp.argmin(d, axis=-1)
    z_q = jnp.take(embed, indices, axis=0)
    loss = (BETA * jnp.mean((jax.lax.stop_gradient(z_q) - z_f) ** 2)
            + jnp.mean((z_q - jax.lax.stop_gradient(z_f)) ** 2))
    # straight-through estimator
    z_q_st = z_f + jax.lax.stop_gradient(z_q - z_f)
    z_q_out = jnp.transpose(z_q_st, (0, 3, 1, 2))
    # perplexity
    enc = jax.nn.one_hot(indices.reshape(-1), N_EMBED, dtype=jnp.float32)
    avg_probs = jnp.mean(enc, axis=0)
    perplexity = jnp.exp(-jnp.sum(avg_probs * jnp.log(avg_probs + 1e-10)))
    return (z_q_out, indices, loss, perplexity)

if __name__ == "__main__":
    import jax
    _d = setup_inputs()
    print(jax.jit(kernel)(*tuple(_d.values())))

</pallas_src>

<mosaic_0001>
#map = affine_map<(d0, d1) -> (0, 0)>
module attributes {stable_mosaic.version = 14 : i64} {
  func.func @_gather_body(%arg0: i32, %arg1: i32, %arg2: memref<1024x64xf32, #tpu.memory_space<hbm>>, %arg3: memref<64x128xi32, #tpu.memory_space<hbm>>, %arg4: memref<8192x64xf32, #tpu.memory_space<hbm>>, %arg5: memref<4x128xi32, #tpu.memory_space<vmem>>, %arg6: memref<512x64xf32, #tpu.memory_space<vmem>>, %arg7: memref<!tpu.dma_semaphore, #tpu.memory_space<semaphore_mem>>) attributes {dimension_semantics = [#tpu.dimension_semantics<core_parallel>, #tpu.dimension_semantics<subcore_parallel>], iteration_bounds = array<i64: 1, 16>, scalar_prefetch = 0 : i64, scratch_operands = 3 : i64, tpu.core_type = #tpu.core_type<sc_vector_subcore>, window_params = [{transform_indices = #map}, {transform_indices = #map}, {transform_indices = #map}]} {
    %mul3A = arith.constant 1 : i32
    %mul3A_0 = arith.muli %arg1, %mul3A : i32
    %add3A = arith.addi %mul3A_0, %arg0 : i32
    %mul3A_1 = arith.constant 4 : i32
    %mul3A_2 = arith.muli %add3A, %mul3A_1 : i32
    "tpu.region"() ({
      %run_scoped3A = tpu.sem_alloc : memref<!tpu.dma_semaphore, #tpu.memory_space<semaphore_mem>>
      %dma_start3A_83 = arith.constant 0 : i32
      %dma_start3A_84 = tpu.memref_slice %arg3[%mul3A_2, %dma_start3A_83] : memref<64x128xi32, #tpu.memory_space<hbm>> -> memref<4x128xi32, #tpu.memory_space<hbm>>
      %dma_start3A_85 = arith.constant 0 : i32
      %dma_start3A_86 = tpu.memref_slice %arg3[%mul3A_2, %dma_start3A_85] : memref<64x128xi32, #tpu.memory_space<hbm>> -> memref<4x128xi32, #tpu.memory_space<hbm>>
      tpu.enqueue_dma source(%dma_start3A_86 : memref<4x128xi32, #tpu.memory_space<hbm>>) target(%arg5 : memref<4x128xi32, #tpu.memory_space<vmem>>) target_semaphore(%run_scoped3A : memref<!tpu.dma_semaphore, #tpu.memory_space<semaphore_mem>>)
      %dma_wait3A_87 = arith.constant 0 : i32
      %dma_wait3A_88 = tpu.memref_slice %arg3[%mul3A_2, %dma_wait3A_87] : memref<64x128xi32, #tpu.memory_space<hbm>> -> memref<4x128xi32, #tpu.memory_space<hbm>>
      %dma_wait3A_89 = arith.constant 0 : i32
      %dma_wait3A_90 = tpu.memref_slice %arg3[%mul3A_2, %dma_wait3A_89] : memref<64x128xi32, #tpu.memory_space<hbm>> -> memref<4x128xi32, #tpu.memory_space<hbm>>
      tpu.wait_dma2 semaphore(%run_scoped3A : memref<!tpu.dma_semaphore, #tpu.memory_space<semaphore_mem>>) src(%dma_wait3A_90 : memref<4x128xi32, #tpu.memory_space<hbm>>) dst(%arg5 : memref<4x128xi32, #tpu.memory_space<vmem>>)
      tpu.yield
    }) : () -> ()
    %dma_start3A = arith.constant 0 : i32
    %dma_start3A_3 = arith.constant 0 : i32
    %dma_start3A_4 = arith.constant 0 : i32
    %dma_start3A_5 = tpu.memref_slice %arg6[%dma_start3A_3, %dma_start3A_4] : memref<512x64xf32, #tpu.memory_space<vmem>> -> memref<128x64xf32, #tpu.memory_space<vmem>>
    %dma_start3A_6 = arith.constant 0 : i32
    %dma_start3A_7 = tpu.memref_slice %arg5[%dma_start3A, %dma_start3A_6] : memref<4x128xi32, #tpu.memory_space<vmem>> -> memref<1x128xi32, #tpu.memory_space<vmem>>
    %dma_start3A_8 = tpu.memref_squeeze %dma_start3A_7 : memref<1x128xi32, #tpu.memory_space<vmem>> -> memref<128xi32, #tpu.memory_space<vmem>>
    %dma_start3A_9 = arith.constant 0 : i32
    %dma_start3A_10 = arith.constant 0 : i32
    %dma_start3A_11 = tpu.memref_slice %arg2[%dma_start3A_9, %dma_start3A_10] : memref<1024x64xf32, #tpu.memory_space<hbm>> -> memref<1024x64xf32, #tpu.memory_space<hbm>>
    tpu.enqueue_indirect_dma source(%dma_start3A_11 : memref<1024x64xf32, #tpu.memory_space<hbm>>) target(%dma_start3A_5 : memref<128x64xf32, #tpu.memory_space<vmem>>) offsets(%dma_start3A_8 : memref<128xi32, #tpu.memory_space<vmem>>) semaphore(%arg7 : memref<!tpu.dma_semaphore, #tpu.memory_space<semaphore_mem>>)
    %dma_start3A_12 = arith.constant 1 : i32
    %dma_start3A_13 = arith.constant 128 : i32
    %dma_start3A_14 = arith.constant 0 : i32
    %dma_start3A_15 = tpu.memref_slice %arg6[%dma_start3A_13, %dma_start3A_14] : memref<512x64xf32, #tpu.memory_space<vmem>> -> memref<128x64xf32, #tpu.memory_space<vmem>>
    %dma_start3A_16 = arith.constant 0 : i32
    %dma_start3A_17 = tpu.memref_slice %arg5[%dma_start3A_12, %dma_start3A_16] : memref<4x128xi32, #tpu.memory_space<vmem>> -> memref<1x128xi32, #tpu.memory_space<vmem>>
    %dma_start3A_18 = tpu.memref_squeeze %dma_start3A_17 : memref<1x128xi32, #tpu.memory_space<vmem>> -> memref<128xi32, #tpu.memory_space<vmem>>
    %dma_start3A_19 = arith.constant 0 : i32
    %dma_start3A_20 = arith.constant 0 : i32
    %dma_start3A_21 = tpu.memref_slice %arg2[%dma_start3A_19, %dma_start3A_20] : memref<1024x64xf32, #tpu.memory_space<hbm>> -> memref<1024x64xf32, #tpu.memory_space<hbm>>
    tpu.enqueue_indirect_dma source(%dma_start3A_21 : memref<1024x64xf32, #tpu.memory_space<hbm>>) target(%dma_start3A_15 : memref<128x64xf32, #tpu.memory_space<vmem>>) offsets(%dma_start3A_18 : memref<128xi32, #tpu.memory_space<vmem>>) semaphore(%arg7 : memref<!tpu.dma_semaphore, #tpu.memory_space<semaphore_mem>>)
    %dma_start3A_22 = arith.constant 2 : i32
    %dma_start3A_23 = arith.constant 256 : i32
    %dma_start3A_24 = arith.constant 0 : i32
    %dma_start3A_25 = tpu.memref_slice %arg6[%dma_start3A_23, %dma_start3A_24] : memref<512x64xf32, #tpu.memory_space<vmem>> -> memref<128x64xf32, #tpu.memory_space<vmem>>
    %dma_start3A_26 = arith.constant 0 : i32
    %dma_start3A_27 = tpu.memref_slice %arg5[%dma_start3A_22, %dma_start3A_26] : memref<4x128xi32, #tpu.memory_space<vmem>> -> memref<1x128xi32, #tpu.memory_space<vmem>>
    %dma_start3A_28 = tpu.memref_squeeze %dma_start3A_27 : memref<1x128xi32, #tpu.memory_space<vmem>> -> memref<128xi32, #tpu.memory_space<vmem>>
    %dma_start3A_29 = arith.constant 0 : i32
    %dma_start3A_30 = arith.constant 0 : i32
    %dma_start3A_31 = tpu.memref_slice %arg2[%dma_start3A_29, %dma_start3A_30] : memref<1024x64xf32, #tpu.memory_space<hbm>> -> memref<1024x64xf32, #tpu.memory_space<hbm>>
    tpu.enqueue_indirect_dma source(%dma_start3A_31 : memref<1024x64xf32, #tpu.memory_space<hbm>>) target(%dma_start3A_25 : memref<128x64xf32, #tpu.memory_space<vmem>>) offsets(%dma_start3A_28 : memref<128xi32, #tpu.memory_space<vmem>>) semaphore(%arg7 : memref<!tpu.dma_semaphore, #tpu.memory_space<semaphore_mem>>)
    %dma_start3A_32 = arith.constant 3 : i32
    %dma_start3A_33 = arith.constant 384 : i32
    %dma_start3A_34 = arith.constant 0 : i32
    %dma_start3A_35 = tpu.memref_slice %arg6[%dma_start3A_33, %dma_start3A_34] : memref<512x64xf32, #tpu.memory_space<vmem>> -> memref<128x64xf32, #tpu.memory_space<vmem>>
    %dma_start3A_36 = arith.constant 0 : i32
    %dma_start3A_37 = tpu.memref_slice %arg5[%dma_start3A_32, %dma_start3A_36] : memref<4x128xi32, #tpu.memory_space<vmem>> -> memref<1x128xi32, #tpu.memory_space<vmem>>
    %dma_start3A_38 = tpu.memref_squeeze %dma_start3A_37 : memref<1x128xi32, #tpu.memory_space<vmem>> -> memref<128xi32, #tpu.memory_space<vmem>>
    %dma_start3A_39 = arith.constant 0 : i32
    %dma_start3A_40 = arith.constant 0 : i32
    %dma_start3A_41 = tpu.memref_slice %arg2[%dma_start3A_39, %dma_start3A_40] : memref<1024x64xf32, #tpu.memory_space<hbm>> -> memref<1024x64xf32, #tpu.memory_space<hbm>>
    tpu.enqueue_indirect_dma source(%dma_start3A_41 : memref<1024x64xf32, #tpu.memory_space<hbm>>) target(%dma_start3A_35 : memref<128x64xf32, #tpu.memory_space<vmem>>) offsets(%dma_start3A_38 : memref<128xi32, #tpu.memory_space<vmem>>) semaphore(%arg7 : memref<!tpu.dma_semaphore, #tpu.memory_space<semaphore_mem>>)
    %dma_wait3A = arith.constant 0 : i32
    %dma_wait3A_42 = arith.constant 0 : i32
    %dma_wait3A_43 = arith.constant 0 : i32
    %dma_wait3A_44 = tpu.memref_slice %arg6[%dma_wait3A_42, %dma_wait3A_43] : memref<512x64xf32, #tpu.memory_space<vmem>> -> memref<128x64xf32, #tpu.memory_space<vmem>>
    %dma_wait3A_45 = arith.constant 0 : i32
    %dma_wait3A_46 = tpu.memref_slice %arg5[%dma_wait3A, %dma_wait3A_45] : memref<4x128xi32, #tpu.memory_space<vmem>> -> memref<1x128xi32, #tpu.memory_space<vmem>>
    %dma_wait3A_47 = tpu.memref_squeeze %dma_wait3A_46 : memref<1x128xi32, #tpu.memory_space<vmem>> -> memref<128xi32, #tpu.memory_space<vmem>>
    %dma_wait3A_48 = arith.constant 0 : i32
    %dma_wait3A_49 = arith.constant 0 : i32
    %dma_wait3A_50 = tpu.memref_slice %arg2[%dma_wait3A_48, %dma_wait3A_49] : memref<1024x64xf32, #tpu.memory_space<hbm>> -> memref<1024x64xf32, #tpu.memory_space<hbm>>
    tpu.wait_indirect_dma semaphore(%arg7 : memref<!tpu.dma_semaphore, #tpu.memory_space<semaphore_mem>>) src(%dma_wait3A_50 : memref<1024x64xf32, #tpu.memory_space<hbm>>) dst(%dma_wait3A_44 : memref<128x64xf32, #tpu.memory_space<vmem>>)
    %dma_wait3A_51 = arith.constant 1 : i32
    %dma_wait3A_52 = arith.constant 128 : i32
    %dma_wait3A_53 = arith.constant 0 : i32
    %dma_wait3A_54 = tpu.memref_slice %arg6[%dma_wait3A_52, %dma_wait3A_53] : memref<512x64xf32, #tpu.memory_space<vmem>> -> memref<128x64xf32, #tpu.memory_space<vmem>>
    %dma_wait3A_55 = arith.constant 0 : i32
    %dma_wait3A_56 = tpu.memref_slice %arg5[%dma_wait3A_51, %dma_wait3A_55] : memref<4x128xi32, #tpu.memory_space<vmem>> -> memref<1x128xi32, #tpu.memory_space<vmem>>
    %dma_wait3A_57 = tpu.memref_squeeze %dma_wait3A_56 : memref<1x128xi32, #tpu.memory_space<vmem>> -> memref<128xi32, #tpu.memory_space<vmem>>
    %dma_wait3A_58 = arith.constant 0 : i32
    %dma_wait3A_59 = arith.constant 0 : i32
    %dma_wait3A_60 = tpu.memref_slice %arg2[%dma_wait3A_58, %dma_wait3A_59] : memref<1024x64xf32, #tpu.memory_space<hbm>> -> memref<1024x64xf32, #tpu.memory_space<hbm>>
    tpu.wait_indirect_dma semaphore(%arg7 : memref<!tpu.dma_semaphore, #tpu.memory_space<semaphore_mem>>) src(%dma_wait3A_60 : memref<1024x64xf32, #tpu.memory_space<hbm>>) dst(%dma_wait3A_54 : memref<128x64xf32, #tpu.memory_space<vmem>>)
    %dma_wait3A_61 = arith.constant 2 : i32
    %dma_wait3A_62 = arith.constant 256 : i32
    %dma_wait3A_63 = arith.constant 0 : i32
    %dma_wait3A_64 = tpu.memref_slice %arg6[%dma_wait3A_62, %dma_wait3A_63] : memref<512x64xf32, #tpu.memory_space<vmem>> -> memref<128x64xf32, #tpu.memory_space<vmem>>
    %dma_wait3A_65 = arith.constant 0 : i32
    %dma_wait3A_66 = tpu.memref_slice %arg5[%dma_wait3A_61, %dma_wait3A_65] : memref<4x128xi32, #tpu.memory_space<vmem>> -> memref<1x128xi32, #tpu.memory_space<vmem>>
    %dma_wait3A_67 = tpu.memref_squeeze %dma_wait3A_66 : memref<1x128xi32, #tpu.memory_space<vmem>> -> memref<128xi32, #tpu.memory_space<vmem>>
    %dma_wait3A_68 = arith.constant 0 : i32
    %dma_wait3A_69 = arith.constant 0 : i32
    %dma_wait3A_70 = tpu.memref_slice %arg2[%dma_wait3A_68, %dma_wait3A_69] : memref<1024x64xf32, #tpu.memory_space<hbm>> -> memref<1024x64xf32, #tpu.memory_space<hbm>>
    tpu.wait_indirect_dma semaphore(%arg7 : memref<!tpu.dma_semaphore, #tpu.memory_space<semaphore_mem>>) src(%dma_wait3A_70 : memref<1024x64xf32, #tpu.memory_space<hbm>>) dst(%dma_wait3A_64 : memref<128x64xf32, #tpu.memory_space<vmem>>)
    %dma_wait3A_71 = arith.constant 3 : i32
    %dma_wait3A_72 = arith.constant 384 : i32
    %dma_wait3A_73 = arith.constant 0 : i32
    %dma_wait3A_74 = tpu.memref_slice %arg6[%dma_wait3A_72, %dma_wait3A_73] : memref<512x64xf32, #tpu.memory_space<vmem>> -> memref<128x64xf32, #tpu.memory_space<vmem>>
    %dma_wait3A_75 = arith.constant 0 : i32
    %dma_wait3A_76 = tpu.memref_slice %arg5[%dma_wait3A_71, %dma_wait3A_75] : memref<4x128xi32, #tpu.memory_space<vmem>> -> memref<1x128xi32, #tpu.memory_space<vmem>>
    %dma_wait3A_77 = tpu.memref_squeeze %dma_wait3A_76 : memref<1x128xi32, #tpu.memory_space<vmem>> -> memref<128xi32, #tpu.memory_space<vmem>>
    %dma_wait3A_78 = arith.constant 0 : i32
    %dma_wait3A_79 = arith.constant 0 : i32
    %dma_wait3A_80 = tpu.memref_slice %arg2[%dma_wait3A_78, %dma_wait3A_79] : memref<1024x64xf32, #tpu.memory_space<hbm>> -> memref<1024x64xf32, #tpu.memory_space<hbm>>
    tpu.wait_indirect_dma semaphore(%arg7 : memref<!tpu.dma_semaphore, #tpu.memory_space<semaphore_mem>>) src(%dma_wait3A_80 : memref<1024x64xf32, #tpu.memory_space<hbm>>) dst(%dma_wait3A_74 : memref<128x64xf32, #tpu.memory_space<vmem>>)
    %mul3A_81 = arith.constant 512 : i32
    %mul3A_82 = arith.muli %add3A, %mul3A_81 : i32
    "tpu.region"() ({
      %run_scoped3A = tpu.sem_alloc : memref<!tpu.dma_semaphore, #tpu.memory_space<semaphore_mem>>
      %dma_start3A_83 = arith.constant 0 : i32
      %dma_start3A_84 = tpu.memref_slice %arg4[%mul3A_82, %dma_start3A_83] : memref<8192x64xf32, #tpu.memory_space<hbm>> -> memref<512x64xf32, #tpu.memory_space<hbm>>
      %dma_start3A_85 = arith.constant 0 : i32
      %dma_start3A_86 = tpu.memref_slice %arg4[%mul3A_82, %dma_start3A_85] : memref<8192x64xf32, #tpu.memory_space<hbm>> -> memref<512x64xf32, #tpu.memory_space<hbm>>
      tpu.enqueue_dma source(%arg6 : memref<512x64xf32, #tpu.memory_space<vmem>>) target(%dma_start3A_86 : memref<512x64xf32, #tpu.memory_space<hbm>>) target_semaphore(%run_scoped3A : memref<!tpu.dma_semaphore, #tpu.memory_space<semaphore_mem>>)
      %dma_wait3A_87 = arith.constant 0 : i32
      %dma_wait3A_88 = tpu.memref_slice %arg4[%mul3A_82, %dma_wait3A_87] : memref<8192x64xf32, #tpu.memory_space<hbm>> -> memref<512x64xf32, #tpu.memory_space<hbm>>
      %dma_wait3A_89 = arith.constant 0 : i32
      %dma_wait3A_90 = tpu.memref_slice %arg4[%mul3A_82, %dma_wait3A_89] : memref<8192x64xf32, #tpu.memory_space<hbm>> -> memref<512x64xf32, #tpu.memory_space<hbm>>
      tpu.wait_dma2 semaphore(%run_scoped3A : memref<!tpu.dma_semaphore, #tpu.memory_space<semaphore_mem>>) src(%arg6 : memref<512x64xf32, #tpu.memory_space<vmem>>) dst(%dma_wait3A_90 : memref<512x64xf32, #tpu.memory_space<hbm>>)
      tpu.yield
    }) : () -> ()
    return
  }
}

module attributes {stable_mosaic.version = 14 : i64} {
  func.func @_vq_body(%arg0: i32, %arg1: memref<1024x64xf32, #tpu.memory_space<vmem>>, %arg2: memref<1024x64xf32, #tpu.memory_space<vmem>>, %arg3: memref<1x1x1024xi32, #tpu.memory_space<vmem>>, %arg4: memref<1x1xf32, #tpu.memory_space<smem>>, %arg5: memref<1x1xf32, #tpu.memory_space<smem>>, %arg6: memref<1x1024xf32, #tpu.memory_space<vmem>>, %arg7: memref<1xf32, #tpu.memory_space<smem>>) attributes {dimension_semantics = [#tpu.dimension_semantics<arbitrary>], iteration_bounds = array<i64: 8>, scalar_prefetch = 0 : i64, scratch_operands = 2 : i64, tpu.core_type = #tpu.core_type<tc>, window_params = [{transform_indices = @transform_0, window_bounds = array<i64: 1024, 64>}, {pipeline_mode = #tpu.pipeline_mode<synchronous>, transform_indices = @transform_1, window_bounds = array<i64: 1024, 64>}, {transform_indices = @transform_2, window_bounds = array<i64: 1, 1, 1024>}, {transform_indices = @transform_3, window_bounds = array<i64: 1, 1>}, {transform_indices = @transform_4, window_bounds = array<i64: 1, 1>}]} {
    %get3A = arith.constant 0 : index
    %get3A_0 = arith.constant 0 : index
    %get3A_1 = vector.load %arg1[%get3A, %get3A_0] : memref<1024x64xf32, #tpu.memory_space<vmem>>, vector<1024x64xf32>
    %get3A_2 = arith.constant 0 : index
    %get3A_3 = arith.constant 0 : index
    %get3A_4 = vector.load %arg2[%get3A_2, %get3A_3] : memref<1024x64xf32, #tpu.memory_space<vmem>>, vector<1024x64xf32>
    %mul3A = arith.mulf %get3A_1, %get3A_1 : vector<1024x64xf32>
    %reduce_sum3A = arith.constant dense<0.000000e+00> : vector<1024xf32>
    %reduce_sum3A_5 = vector.multi_reduction <add>, %mul3A, %reduce_sum3A [1] : vector<1024x64xf32> to vector<1024xf32>
    %broadcast_in_dim3A = vector.shape_cast %reduce_sum3A_5 : vector<1024xf32> to vector<1024x1xf32>
    %mul3A_6 = arith.mulf %get3A_4, %get3A_4 : vector<1024x64xf32>
    %reduce_sum3A_7 = arith.constant dense<0.000000e+00> : vector<1024xf32>
    %reduce_sum3A_8 = vector.multi_reduction <add>, %mul3A_6, %reduce_sum3A_7 [1] : vector<1024x64xf32> to vector<1024xf32>
    %mul3A_9 = arith.constant -2.000000e+00 : f32
    %mul3A_10 = vector.broadcast %mul3A_9 : f32 to vector<1024x64xf32>
    %mul3A_11 = arith.mulf %mul3A_10, %get3A_1 : vector<1024x64xf32>
    %dot_general3A = arith.constant dense<0.000000e+00> : vector<1024x1024xf32>
    %dot_general3A_12 = tpu.matmul %mul3A_11, %get3A_4, %dot_general3A {dimension_numbers = #tpu.dot_dimension_numbers<[1], [1], [0], [0], [0, 0, 1, 0], [], []>, transpose_lhs_hint = false} : vector<1024x64xf32>, vector<1024x64xf32>, vector<1024x1024xf32> -> vector<1024x1024xf32>
    %broadcast_in_dim3A_13 = vector.shape_cast %reduce_sum3A_8 : vector<1024xf32> to vector<1x1024xf32>
    %add3A = vector.broadcast %broadcast_in_dim3A : vector<1024x1xf32> to vector<1024x1024xf32>
    %add3A_14 = vector.broadcast %broadcast_in_dim3A_13 : vector<1x1024xf32> to vector<1024x1024xf32>
    %add3A_15 = arith.addf %add3A, %add3A_14 : vector<1024x1024xf32>
    %add3A_16 = arith.addf %add3A_15, %dot_general3A_12 : vector<1024x1024xf32>
    %reduce_min3A = arith.constant dense<0x7F800000> : vector<1024xf32>
    %reduce_min3A_17 = vector.multi_reduction <minimumf>, %add3A_16, %reduce_min3A [1] : vector<1024x1024xf32> to vector<1024xf32>
    %broadcast_in_dim3A_18 = vector.shape_cast %reduce_min3A_17 : vector<1024xf32> to vector<1024x1xf32>
    %iota3A = tpu.iota {dimensions = array<i32: 1>} : vector<1024x1024xi32>
    %convert_element_type3A = arith.sitofp %iota3A : vector<1024x1024xi32> to vector<1024x1024xf32>
    %eq3A = vector.broadcast %broadcast_in_dim3A_18 : vector<1024x1xf32> to vector<1024x1024xf32>
    %eq3A_19 = arith.cmpf oeq, %add3A_16, %eq3A : vector<1024x1024xf32>
    %jit3A = arith.constant 2.048000e+03 : f32
    %broadcast_in_dim3A_20 = vector.broadcast %jit3A : f32 to vector<1024x1024xf32>
    %select_n3A = arith.select %eq3A_19, %convert_element_type3A, %broadcast_in_dim3A_20 : vector<1024x1024xi1>, vector<1024x1024xf32>
    %reduce_min3A_21 = arith.constant dense<0x7F800000> : vector<1024xf32>
    %reduce_min3A_22 = vector.multi_reduction <minimumf>, %select_n3A, %reduce_min3A_21 [1] : vector<1024x1024xf32> to vector<1024xf32>
    %broadcast_in_dim3A_23 = vector.shape_cast %reduce_min3A_22 : vector<1024xf32> to vector<1024x1xf32>
    %squeeze3A = vector.shape_cast %broadcast_in_dim3A_23 : vector<1024x1xf32> to vector<1024xf32>
    %convert_element_type3A_24 = arith.fptosi %squeeze3A : vector<1024xf32> to vector<1024xi32>
    %swap3A = arith.constant 0 : index
    %swap3A_25 = arith.constant 0 : index
    %swap3A_26 = arith.constant 0 : index
    %swap3A_27 = vector.load %arg3[%swap3A, %swap3A_25, %swap3A_26] : memref<1x1x1024xi32, #tpu.memory_space<vmem>>, vector<1x1x1024xi32>
    %swap3A_28 = vector.shape_cast %swap3A_27 : vector<1x1x1024xi32> to vector<1024xi32>
    %swap3A_29 = vector.shape_cast %convert_element_type3A_24 : vector<1024xi32> to vector<1x1x1024xi32>
    tpu.vector_store %arg3[%swap3A, %swap3A_25, %swap3A_26], %swap3A_29 {strides = array<i32>} : memref<1x1x1024xi32, #tpu.memory_space<vmem>>, vector<1x1x1024xi32>,
    %eq3A_30 = vector.broadcast %broadcast_in_dim3A_23 : vector<1024x1xf32> to vector<1024x1024xf32>
    %eq3A_31 = arith.cmpf oeq, %eq3A_30, %convert_element_type3A : vector<1024x1024xf32>
    %convert_element_type3A_32 = arith.extui %eq3A_31 : vector<1024x1024xi1> to vector<1024x1024xi32>
    %convert_element_type3A_33 = arith.sitofp %convert_element_type3A_32 : vector<1024x1024xi32> to vector<1024x1024xf32>
    %broadcast_in_dim3A_34 = arith.constant 1.000000e+00 : f32
    %broadcast_in_dim3A_35 = vector.broadcast %broadcast_in_dim3A_34 : f32 to vector<1x1024xf32>
    %dot_general3A_36 = arith.constant dense<0.000000e+00> : vector<1x1024xf32>
    %dot_general3A_37 = tpu.matmul %broadcast_in_dim3A_35, %convert_element_type3A_33, %dot_general3A_36 {dimension_numbers = #tpu.dot_dimension_numbers<[1], [0], [0], [1], [0, 0, 1, 1], [], []>, transpose_lhs_hint = false} : vector<1x1024xf32>, vector<1024x1024xf32>, vector<1x1024xf32> -> vector<1x1024xf32>
    %squeeze3A_38 = vector.shape_cast %dot_general3A_37 : vector<1x1024xf32> to vector<1024xf32>
    %eq3A_39 = arith.constant 0 : i32
    %eq3A_40 = arith.cmpi eq, %arg0, %eq3A_39 : i32
    %convert_element_type3A_41 = arith.extui %eq3A_40 : i1 to i32
    %cond3A = arith.constant 0 : i32
    %cond3A_42 = arith.cmpi ne, %convert_element_type3A_41, %cond3A : i32
    scf.if %cond3A_42 {
      %broadcast_in_dim3A_66 = arith.constant 0.000000e+00 : f32
      %broadcast_in_dim3A_67 = vector.broadcast %broadcast_in_dim3A_66 : f32 to vector<1x1024xf32>
      %swap3A_68 = arith.constant 0 : index
      %swap3A_69 = arith.constant 0 : index
      %swap3A_70 = vector.load %arg6[%swap3A_68, %swap3A_69] : memref<1x1024xf32, #tpu.memory_space<vmem>>, vector<1x1024xf32>
      tpu.vector_store %arg6[%swap3A_68, %swap3A_69], %broadcast_in_dim3A_67 {strides = array<i32>} : memref<1x1024xf32, #tpu.memory_space<vmem>>, vector<1x1024xf32>,
      %swap3A_71 = arith.constant 0.000000e+00 : f32
      %swap3A_72 = arith.constant 0 : index
      %swap3A_73 = memref.load %arg7[%swap3A_72] : memref<1xf32, #tpu.memory_space<smem>>
      memref.store %swap3A_71, %arg7[%swap3A_72] : memref<1xf32, #tpu.memory_space<smem>>
    } else {
    }
    %get3A_43 = arith.constant 0 : index
    %get3A_44 = arith.constant 0 : index
    %get3A_45 = vector.load %arg6[%get3A_43, %get3A_44] : memref<1x1024xf32, #tpu.memory_space<vmem>>, vector<1x1024xf32>
    %broadcast_in_dim3A_46 = vector.shape_cast %squeeze3A_38 : vector<1024xf32> to vector<1x1024xf32>
    %add3A_47 = arith.addf %get3A_45, %broadcast_in_dim3A_46 : vector<1x1024xf32>
    %swap3A_48 = arith.constant 0 : index
    %swap3A_49 = arith.constant 0 : index
    %swap3A_50 = vector.load %arg6[%swap3A_48, %swap3A_49] : memref<1x1024xf32, #tpu.memory_space<vmem>>, vector<1x1024xf32>
    tpu.vector_store %arg6[%swap3A_48, %swap3A_49], %add3A_47 {strides = array<i32>} : memref<1x1024xf32, #tpu.memory_space<vmem>>, vector<1x1024xf32>,
    %get3A_51 = arith.constant 0 : index
    %get3A_52 = memref.load %arg7[%get3A_51] : memref<1xf32, #tpu.memory_space<smem>>
    %reduce_sum3A_53 = vector.shape_cast %broadcast_in_dim3A_18 : vector<1024x1xf32> to vector<1x1024x1xf32>
    %reduce_sum3A_54 = arith.constant dense<0.000000e+00> : vector<1xf32>
    %reduce_sum3A_55 = vector.multi_reduction <add>, %reduce_sum3A_53, %reduce_sum3A_54 [1, 2] : vector<1x1024x1xf32> to vector<1xf32>
    %reduce_sum3A_56 = vector.shape_cast %reduce_sum3A_55 : vector<1xf32> to vector<1x1x1xf32>
    %reduce_sum3A_57 = vector.extract %reduce_sum3A_56[0, 0, 0] : f32 from vector<1x1x1xf32>
    %add3A_58 = arith.addf %get3A_52, %reduce_sum3A_57 : f32
    %swap3A_59 = arith.constant 0 : index
    %swap3A_60 = memref.load %arg7[%swap3A_59] : memref<1xf32, #tpu.memory_space<smem>>
    memref.store %add3A_58, %arg7[%swap3A_59] : memref<1xf32, #tpu.memory_space<smem>>
    %eq3A_61 = arith.constant 7 : i32
    %eq3A_62 = arith.cmpi eq, %arg0, %eq3A_61 : i32
    %convert_element_type3A_63 = arith.extui %eq3A_62 : i1 to i32
    %cond3A_64 = arith.constant 0 : i32
    %cond3A_65 = arith.cmpi ne, %convert_element_type3A_63, %cond3A_64 : i32
    scf.if %cond3A_65 {
      %get3A_66 = arith.constant 0 : index
      %get3A_67 = memref.load %arg7[%get3A_66] : memref<1xf32, #tpu.memory_space<smem>>
      %div3A = arith.constant 5.242880e+05 : f32
      %div3A_68 = arith.divf %get3A_67, %div3A : f32
      %mul3A_69 = arith.constant 2.500000e-01 : f32
      %mul3A_70 = arith.mulf %mul3A_69, %div3A_68 : f32
      %add3A_71 = arith.addf %mul3A_70, %div3A_68 : f32
      %swap3A_72 = arith.constant 0 : index
      %swap3A_73 = arith.constant 0 : index
      %swap3A_74 = memref.load %arg4[%swap3A_72, %swap3A_73] : memref<1x1xf32, #tpu.memory_space<smem>>
      memref.store %add3A_71, %arg4[%swap3A_72, %swap3A_73] : memref<1x1xf32, #tpu.memory_space<smem>>
      %get3A_75 = arith.constant 0 : index
      %get3A_76 = arith.constant 0 : index
      %get3A_77 = vector.load %arg6[%get3A_75, %get3A_76] : memref<1x1024xf32, #tpu.memory_space<vmem>>, vector<1x1024xf32>
      %get3A_78 = vector.shape_cast %get3A_77 : vector<1x1024xf32> to vector<1024xf32>
      %mul3A_79 = arith.constant 1.22070313E-4 : f32
      %mul3A_80 = vector.broadcast %mul3A_79 : f32 to vector<1024xf32>
      %mul3A_81 = arith.mulf %get3A_78, %mul3A_80 : vector<1024xf32>
      %add3A_82 = arith.constant 1.000000e-10 : f32
      %add3A_83 = vector.broadcast %add3A_82 : f32 to vector<1024xf32>
      %add3A_84 = arith.addf %mul3A_81, %add3A_83 : vector<1024xf32>
      %log3A = math.log %add3A_84 : vector<1024xf32>
      %mul3A_85 = arith.mulf %mul3A_81, %log3A : vector<1024xf32>
      %reduce_sum3A_86 = vector.shape_cast %mul3A_85 : vector<1024xf32> to vector<1x1024xf32>
      %reduce_sum3A_87 = arith.constant dense<0.000000e+00> : vector<1xf32>
      %reduce_sum3A_88 = vector.multi_reduction <add>, %reduce_sum3A_86, %reduce_sum3A_87 [1] : vector<1x1024xf32> to vector<1xf32>
      %reduce_sum3A_89 = vector.shape_cast %reduce_sum3A_88 : vector<1xf32> to vector<1x1xf32>
      %reduce_sum3A_90 = vector.extract %reduce_sum3A_89[0, 0] : f32 from vector<1x1xf32>
      %neg3A = arith.constant 0.000000e+00 : f32
      %neg3A_91 = arith.subf %neg3A, %reduce_sum3A_90 : f32
      %exp3A = math.exp %neg3A_91 : f32
      %swap3A_92 = arith.constant 0 : index
      %swap3A_93 = arith.constant 0 : index
      %swap3A_94 = memref.load %arg5[%swap3A_92, %swap3A_93] : memref<1x1xf32, #tpu.memory_space<smem>>
      memref.store %exp3A, %arg5[%swap3A_92, %swap3A_93] : memref<1x1xf32, #tpu.memory_space<smem>>
    } else {
    }
    return
  }
  func.func @transform_0(%arg0: i32) -> (i32, i32) {
    %c0_i32 = arith.constant 0 : i32
    %c0_i32_0 = arith.constant 0 : i32
    return %arg0, %c0_i32 : i32, i32
  }
  func.func @transform_1(%arg0: i32) -> (i32, i32) {
    %c0_i32 = arith.constant 0 : i32
    %c0_i32_0 = arith.constant 0 : i32
    %c0_i32_1 = arith.constant 0 : i32
    return %c0_i32, %c0_i32_0 : i32, i32
  }
  func.func @transform_2(%arg0: i32) -> (i32, i32, i32) {
    %c0_i32 = arith.constant 0 : i32
    %c0_i32_0 = arith.constant 0 : i32
    %c0_i32_1 = arith.constant 0 : i32
    return %arg0, %c0_i32, %c0_i32_0 : i32, i32, i32
  }
  func.func @transform_3(%arg0: i32) -> (i32, i32) {
    %c0_i32 = arith.constant 0 : i32
    %c0_i32_0 = arith.constant 0 : i32
    %c0_i32_1 = arith.constant 0 : i32
    return %c0_i32, %c0_i32_0 : i32, i32
  }
  func.func @transform_4(%arg0: i32) -> (i32, i32) {
    %c0_i32 = arith.constant 0 : i32
    %c0_i32_0 = arith.constant 0 : i32
    %c0_i32_1 = arith.constant 0 : i32
    return %c0_i32, %c0_i32_0 : i32, i32
  }
}

</mosaic_0001>

<sc_bundles>
// kernel: kernel.4.cloned.1.call-start
scs
__scs_entry_jumppad:
0x0: {  	(pc) =	sbr.rel $0x88, $3  }
0x1: {  	(tag) =	ssettag $0x0;
	lr =	simm.s32 $0x1  }
0x2: {  	[smem:$0x3F9F] =	sst lr;
	_ =	strace $0xD0000000  }
0x3: {  	_ = 	snop  }
0x4: {  	_ = 	snop  }
0x5: {  	_ = 	snop  }
0x6: {  	_ = 	snop  }
0x7: {  	_ = 	snop  }
__scs_overlays_trampoline_lowered:
0x8: {  	[smem:$0x3FAE] =	sst s0  }
0x9: {  	[smem:$0x3FAF] =	sst s1  }
0xa: {  	[smem:$0x3FB0] =	sst s2  }
0xb: {  	[smem:$0x3FB1] =	sst s3  }
0xc: {  	[smem:$0x3FB2] =	sst s4  }
0xd: {  	[smem:$0x3FB3] =	sst s5  }
0xe: {  	[smem:$0x3FB4] =	sst s6  }
0xf: {  	[smem:$0x3FB5] =	sst s7  }
0x10: {  	[smem:$0x3FB6] =	sst s8  }
0x11: {  	[smem:$0x3FB7] =	sst s9;
	s0 =	simm.s32 @!p0 $0x0  }
0x12: {  	s1 =	sld [smem:$0x3F9D];
	s0 =	simm.s32 @p0 $0x1  }
0x13: {  	[smem:$0x3FB8] =	sst s0;
	s0 =	simm.s32 @!p1 $0x0  }
0x14: {  	s2 =	sld [smem:$0x3F9C];
	s0 =	simm.s32 @p1 $0x1  }
0x15: {  	[smem:$0x3FB9] =	sst s0;
	s0 =	simm.s32 @!p2 $0x0  }
0x16: {  	s3 =	sld [smem:$0x3FDB];
	s0 =	simm.s32 @p2 $0x1  }
0x17: {  	s4 =	simm.s32 $0x1BF5;
	[smem:$0x3FBB] =	sst s0  }
0x18: {  	s0 =	sld [smem:$0x3F9E];
	_ =	swait.ge [sflag:s4], $0x0  }
0x19: {  	s7 =	sld [smem:$0x3F9F]  }
0x1a: {  	s8 =	sadd.s32 $0xFFFFE003, lr  }
0x1b: {  	s9 =	sadd.s32 $0xFFFFFEF7, lr;
	s5 =	simm.s32 $0xFFFFFFFF;
	p2 =	slt.u32 s8, $0xFFFFF086  }
0x1c: {  	p1 =	slt.u32 s9, $0xF7A;
	s5 =	simm.s32 @!p2 $0x0  }
0x1d: {  	s5 =	simm.s32 @p1 $0x1;
	p0 =	seq.s32 s7, s2  }
0x1e: {  	s7 =	smul.u32 @!p0 $0xF7A, s2;
	p2 =	seq.s32 @!p0 s5, $0x0  }
0x1f: {  	s9 =	smul.u32 $0xF7A, s1;
	s8 =	simm.s32 @!p0 $0x1BF5;
	p2 =	por !p2, p0  }
0x20: {  	[sflag:s8] =	ssyncset.s32 @!p0 $0xFFFFF086;
	s6 =	sadd.s32 @!p0 s3, s7;
	s7 =	simm.s32 @!p0 $0x108  }
0x21: {  	s3 =	sadd.s32 s3, s9;
	s6 =	sadd.s32 @!p0 $0x88, s6;
	s7 =	simm.s32 @p2 $0x1082  }
0x22: {  	[simem:s7], [sflag:s8] =	dma.local @!p0 [hbm:s6], $0xF7A  }
0x23: {  	s9 =	sor.u32 $0xD0000000, s2;
	s6 =	simm.s32 $0x108;
	_ =	swait.ge @!p0 [sflag:s8], $0x0  }
0x24: {  	s3 =	sadd.s32 $0x88, s3;
	s6 =	simm.s32 @!p1 $0x1082;
	[sflag:s4] =	ssyncset.s32 $0xFFFFF086  }
0x25: {  	[simem:s6], [sflag:s4] =	dma.local [hbm:s3], $0xF7A  }
0x26: {  	[smem:$0x3F9F] =	sst s1;
	(tag) =	ssettag s2;
	_ =	strace s9  }
0x27: {  	s1 =	sld [smem:$0x3FAF]  }
0x28: {  	s2 =	sld [smem:$0x3FB0]  }
0x29: {  	s4 =	sld [smem:$0x3FB2]  }
0x2a: {  	p0 =	seq.s32 s5, $0x0;
	s5 =	sld [smem:$0x3FB3]  }
0x2b: {  	s6 =	sld [smem:$0x3FB4]  }
0x2c: {  	s7 =	sld [smem:$0x3FB5]  }
0x2d: {  	s3 =	simm.s32 $0x108;
	s8 =	sld [smem:$0x3FB6]  }
0x2e: {  	s3 =	simm.s32 @!p0 $0x1082;
	s9 =	sld [smem:$0x3FB7]  }
0x2f: {  	lr =	sadd.s32 s0, s3;
	s0 =	sld [smem:$0x3FAE]  }
0x30: {  	s3 =	sld [smem:$0x3FB1]  }
0x31: {  	[smem:$0x3FBA] =	sst s10  }
0x32: {  	s10 =	sld [smem:$0x3FB8];
	_ =	sdelay $0x3  }
0x33: {  	p0 =	seq.s32 s10, $0x1;
	s10 =	sld [smem:$0x3FBA];
	_ =	sdelay $0x3  }
0x34: {  	[smem:$0x3FBA] =	sst s10  }
0x35: {  	s10 =	sld [smem:$0x3FB9];
	_ =	sdelay $0x3  }
0x36: {  	p1 =	seq.s32 s10, $0x1;
	s10 =	sld [smem:$0x3FBA];
	_ =	sdelay $0x3  }
0x37: {  	[smem:$0x3FBA] =	sst s10  }
0x38: {  	s10 =	sld [smem:$0x3FBB]  }
0x39: {  	_ = 	snop;
	(pc) =	sbr.ind lr, $3  }
0x3a: {  	_ = 	snop  }
0x3b: {  	_ = 	snop  }
0x3c: {  	p2 =	seq.s32 s10, $0x1;
	s10 =	sld [smem:$0x3FBA]  }
0x3d: {  	_ =	shalt  }
0x3e: {  	_ =	shalt  }
0x3f: {  	_ =	shalt  }
0x40: {  	_ =	shalt  }
0x41: {  	_ =	shalt  }
0x42: {  	_ =	shalt  }
0x43: {  	_ =	shalt  }
0x44: {  	_ =	shalt  }
0x45: {  	_ =	shalt  }
0x46: {  	_ =	shalt  }
0x47: {  	_ =	shalt  }
0x48: {  	_ =	shalt  }
0x49: {  	_ =	shalt  }
0x4a: {  	_ =	shalt  }
0x4b: {  	_ =	shalt  }
0x4c: {  	_ =	shalt  }
0x4d: {  	_ =	shalt  }
0x4e: {  	_ =	shalt  }
0x4f: {  	_ =	shalt  }
0x50: {  	_ =	shalt  }
0x51: {  	_ =	shalt  }
0x52: {  	_ =	shalt  }
0x53: {  	_ =	shalt  }
0x54: {  	_ =	shalt  }
0x55: {  	_ =	shalt  }
0x56: {  	_ =	shalt  }
0x57: {  	_ =	shalt  }
0x58: {  	_ =	shalt  }
0x59: {  	_ =	shalt  }
0x5a: {  	_ =	shalt  }
0x5b: {  	_ =	shalt  }
0x5c: {  	_ =	shalt  }
0x5d: {  	_ =	shalt  }
0x5e: {  	_ =	shalt  }
0x5f: {  	_ =	shalt  }
0x60: {  	_ =	shalt  }
0x61: {  	_ =	shalt  }
0x62: {  	_ =	shalt  }
0x63: {  	_ =	shalt  }
0x64: {  	_ =	shalt  }
0x65: {  	_ =	shalt  }
0x66: {  	_ =	shalt  }
0x67: {  	_ =	shalt  }
0x68: {  	_ =	shalt  }
0x69: {  	_ =	shalt  }
0x6a: {  	_ =	shalt  }
0x6b: {  	_ =	shalt  }
0x6c: {  	_ =	shalt  }
0x6d: {  	_ =	shalt  }
0x6e: {  	_ =	shalt  }
0x6f: {  	_ =	shalt  }
0x70: {  	_ =	shalt  }
0x71: {  	_ =	shalt  }
0x72: {  	_ =	shalt  }
0x73: {  	_ =	shalt  }
0x74: {  	_ =	shalt  }
0x75: {  	_ =	shalt  }
0x76: {  	_ =	shalt  }
0x77: {  	_ =	shalt  }
0x78: {  	_ =	shalt  }
0x79: {  	_ =	shalt  }
0x7a: {  	_ =	shalt  }
0x7b: {  	_ =	shalt  }
0x7c: {  	_ =	shalt  }
0x7d: {  	_ =	shalt  }
0x7e: {  	_ =	shalt  }
0x7f: {  	_ =	shalt  }
0x80: {  	_ =	shalt  }
0x81: {  	_ =	shalt  }
0x82: {  	_ =	shalt  }
0x83: {  	_ =	shalt  }
0x84: {  	_ =	shalt  }
0x85: {  	_ =	shalt  }
0x86: {  	_ =	shalt  }
0x87: {  	_ =	shalt  }
.Lfunc_end0:
.L_simem_size_0:
called_computation_lowered:
.L_overlay_start_0:
0x88: {  	s0 =	sld [smem:$0x3FD9]  }
0x89: {  	s1 =	sld [smem:$0x3FFE];
	_ =	sdelay $0x3  }
0x8a: {  	s0 =	sadd.s32 s1, s0  }
0x8b: {  	[smem:$0x3FC6] =	sst s0  }
0x8c: {  	_ = 	snop  }
0x8d: {  	s0 =	sld [smem:$0x3FD0];
	_ =	sdelay $0x2  }
0x8e: {  	s13 =	simm.s32 $0xA;
	s2 =	simm.s32 $0x10  }
0x8f: {  	[smem:s2], [sflag:s13] =	dma.local [hbm:s0], $0x1  }
0x90: {  	_ =	swait.eq [sflag:s13], $0x1  }
0x91: {  	[sflag:s13] =	ssyncset.done $0x0  }
0x92: {  	[sflag:s13] =	ssyncadd.s32 $0xFFFFFFFF  }
0x93: {  	s14 =	sld [smem:$0x10];
	(tm) =	ssettm $0x1  }
0x94: {  	s15 =	sld [smem:$0x3FFB];
	_ =	sdelay $0x3  }
0x95: {  	_ =	strace s15  }
0x96: {  	s1 =	sld [smem:$0x3FFC];
	_ =	sdelay $0x3  }
0x97: {  	_ =	strace s1  }
0x98: {  	s1 =	sld [smem:$0x3FFD];
	_ =	sdelay $0x3  }
0x99: {  	_ =	strace s1  }
0x9a: {  	_ =	strace $0x8FFFFFFF  }
0x9b: {  	s16 =	sld [smem:$0x3FDB];
	_ =	sdelay $0x1  }
0x9c: {  	s17 =	simm.s32 $_scs_section_size  }
0x9d: {  	s3 =	simm.s32 $_size__tile_overlayer_lowered;
	s4 =	simm.s32 $_tile_overlayer_lowered  }
0x9e: {  	s20 =	simm.s32 $0x1BFF;
	s19 =	sshll.u32 s4, $0x1;
	s1 =	sadd.s32 s17, s16  }
0x9f: {  	s5 =	simm.s32 $0x0;
	s18 =	sshll.u32 s3, $0x1;
	s3 =	sadd.s32 s19, s1  }
0xa0: {  	[timem:s5], [sflag:s20] =	dma.local [hbm:s3], s18  }
0xa1: {  	_ =	swait.ge [sflag:s20], s18  }
0xa2: {  	s2 =	ssub.s32 $0x0, s18;
	[sflag:s20] =	ssyncset.done $0x0  }
0xa3: {  	[sflag:s20] =	ssyncadd.s32 s2;
	_ =	sdelay $0x1  }
0xa4: {  	s21 =	simm.s32 $0x1B8B  }
0xa5: {  	_ =	swait.ge [sflag:s21], $0x1  }
0xa6: {  	[sflag:s21] =	ssyncset.done $0x0  }
0xa7: {  	s23 =	simm.s32 $0x1B8E;
	s22 =	sld [smem:$0x3FFE];
	[sflag:s21] =	ssyncadd.s32 $0xFFFFFFFF  }
0xa8: {  	s24 =	simm.s32 $execute0_lowered;
	[smem:$0x3FD2] =	sst s23  }
0xa9: {  	s3 =	sshll.u32 s24, $0x1;
	_ =	strace $0x80000046;
	[dreg:$0x1] =	wrdreg $0xFFFFFFFF  }
0xaa: {  	s25 =	simm.s32 $_size_execute0_lowered;
	s1 =	sadd.s32 s1, s3;
	[dreg:$0x0] =	wrdreg $0x0  }
0xab: {  	s3 =	sshll.u32 s25, $0x1;
	[dreg:$0x2] =	wrdreg s1  }
0xac: {  	[dreg:$0x3] =	wrdreg s3  }
0xad: {  	[dreg:$0x4] =	wrdreg $0xC0  }
0xae: {  	_ =	task [dreg:s5], $0x5FFFF  }
0xaf: {  	[dreg:$0x1] =	wrdreg $0xFFFFFFFF  }
0xb0: {  	[dreg:$0x0] =	wrdreg $0x60  }
0xb1: {  	[dreg:$0x2] =	wrdreg s14  }
0xb2: {  	[dreg:$0x3] =	wrdreg s22  }
0xb3: {  	[dreg:$0x4] =	wrdreg $0x9  }
0xb4: {  	_ =	task.clear_ibuf [dreg:s5], $0x5FFFF;
	_ =	strace $0x90000046  }
0xb5: {  	s26 =	simm.s32 $0x9;
	_ =	strace $0x80000048  }
0xb6: {  	_ =	swait.ge [sflag:s26], $0x1  }
0xb7: {  	[sflag:s26] =	ssyncadd.s32 $0xFFFFFFFF  }
0xb8: {  	_ =	strace $0x90000048  }
0xb9: {  	_ =	sfence  }
0xba: {  	s28 =	sld [smem:$0x0];
	_ =	sdelay $0x1  }
0xbb: {  	s29 =	srdreg.scid  }
0xbc: {  	s30 =	sshll.u32 s29, $0xD;
	s31 =	sshrl.u32 s29, $0x2  }
0xbd: {  	s2 =	sand.u32 $0x4000, s30;
	s1 =	sand.u32 $0x1, s29;
	s0 =	sadd.s32 s31, s28  }
0xbe: {  	s1 =	sor.u32 s2, s1;
	s0 =	sshll.u32 s0, $0x11  }
0xbf: {  	s0 =	sor.u32 s0, s1  }
0xc0: {  	s0 =	sadd.s32 $0x8F2B, s0  }
0xc1: {  	[sflag:s0] =	ssyncadd.remote.s32 $0x1  }
0xc2: {  	_ =	sfence.sel $0xFFFF  }
0xc3: {  	[dreg:$0x0] =	wrdreg $0xFFFFFFFF;
	(pc) =	sbr.abs _section_cstart, $3  }
0xc4: {  	[dreg:$0x1] =	wrdreg $0xFFFFFFFF  }
0xc5: {  	_ =	task.clear_ibuf [dreg:s5], $0x2FFFF;
	_ =	strace $0x9FFFFFFF  }
0xc6: {  	(tm) =	ssettm $0x7FFFFFFF  }
0xc7: {  	_ =	shalt  }
tec
execute0_lowered:
.L_overlay_start_1:
0x0: {  	(tag) =	ssettag $0x1  }
0x1: {  	s0 =	rddreg [dreg:$0x0]  }
0x2: {  	s1 =	rddreg [dreg:$0x1];
	s2 =	stileid.u32  }
0x3: {  	s3 =	rddreg [dreg:$0x2];
	s4 =	simm.s32 $0x0;
	s5 =	sshll.u32 s2, $0x6  }
0x4: {  	[smem:$0x7FF] =	sst s4;
	s5 =	sadd.s32 s5, s1  }
0x5: {  	s25 =	simm.s32 $0x2;
	_ =	strace $0x80000047;
	s5 =	sadd.s32 $0x800, s5  }
0x6: {  	[tilespmem:s4], [sflag:$0x2] =	stream.linear.gather [hbm4b:s5+s4], $0x200, $0x38;
	[tilespmem:$0x8200] =	vst v63  }
0x7: {  	_ =	swait.ge [sflag:s25], $0x200  }
0x8: {  	[sflag:s25] =	ssyncset.done $0x0  }
0x9: {  	s6 =	simm.s32 $0x80;
	s7 =	simm.s32 $0x200;
	[sflag:s25] =	ssyncadd.s32 $0xFFFFFE00  }
0xa: {  	[tilespmem:s7], [sflag:$0x1] =	stream.indirect.gather [hbm4b:s0+s6], $0x40, s4, s6, $0xb8;
	[tilespmem:$0x8200] =	vst v63  }
0xb: {  	s8 =	simm.s32 $0x2200  }
0xc: {  	[tilespmem:s8], [sflag:$0x1] =	stream.indirect.gather [hbm4b:s0+s6], $0x40, s6, s6, $0xb8;
	[tilespmem:$0x8200] =	vst v63  }
0xd: {  	s26 =	simm.s32 $0x100;
	s9 =	simm.s32 $0x4200  }
0xe: {  	[tilespmem:s9], [sflag:$0x1] =	stream.indirect.gather [hbm4b:s0+s6], $0x40, s26, s6, $0xb8;
	[tilespmem:$0x8200] =	vst v63  }
0xf: {  	s28 =	simm.s32 $0x180;
	s29 =	simm.s32 $0x6200;
	s30 =	simm.s32 $0x1  }
0x10: {  	[tilespmem:s29], [sflag:$0x1] =	stream.indirect.gather [hbm4b:s0+s6], $0x40, s28, s6, $0xb8;
	[tilespmem:$0x8200] =	vst v63  }
0x11: {  	_ =	swait.ge [sflag:s30], $0x2000  }
0x12: {  	[sflag:s30] =	ssyncset.done $0x0  }
0x13: {  	[sflag:s30] =	ssyncadd.s32 $0xFFFFE000  }
0x14: {  	_ =	swait.ge [sflag:s30], $0x2000  }
0x15: {  	[sflag:s30] =	ssyncset.done $0x0  }
0x16: {  	[sflag:s30] =	ssyncadd.s32 $0xFFFFE000  }
0x17: {  	_ =	swait.ge [sflag:s30], $0x2000  }
0x18: {  	[sflag:s30] =	ssyncset.done $0x0  }
0x19: {  	[sflag:s30] =	ssyncadd.s32 $0xFFFFE000  }
0x1a: {  	s31 =	sshll.u32 s2, $0xC;
	_ =	swait.ge [sflag:s30], $0x2000  }
0x1b: {  	s1 =	sadd.s32 s31, s1;
	[sflag:s30] =	ssyncset.done $0x0  }
0x1c: {  	s1 =	sadd.s32 $0xC00, s1;
	[sflag:s30] =	ssyncadd.s32 $0xFFFFE000  }
0x1d: {  	[hbm4b:s1+s4] =	stream.linear.scatter [tilespmem:s7], [sflag:$0x2], $0x8000, $0x38;
	[tilespmem:$0x8200] =	vst v63  }
0x1e: {  	_ =	swait.ge [sflag:s25], $0x8000  }
0x1f: {  	[sflag:s25] =	ssyncset.done $0x0  }
0x20: {  	[sflag:s25] =	ssyncadd.s32 $0xFFFF8000  }
0x21: {  	_ =	sfence.sel $0x180000  }
0x22: {  	[bflag:$0x0] =	sbarrier.arrive $0xFFFF  }
0x23: {  	p0 =	sne.s32 s2, $0x0;
	_ =	strace $0x90000047  }
0x24: {  	s0 =	sadd.s32 @!p0 $0x100000, s3;
	[bflag:$0x2] =	sbarrier.arrive $0xFFFF  }
0x25: {  	[sflag:s0] =	ssyncadd.tile.s32 @!p0 $0x1;
	_ =	shalt  }
.Lfunc_end2:
_tile_overlayer_lowered:
.L_overlay_start_2:
0x26: {  	(tag) =	ssettag $0x2  }
0x27: {  	s0 =	rddreg [dreg:$0x0];
	s2 =	stileid.u32  }
0x28: {  	s1 =	rddreg [dreg:$0x1];
	p0 =	sne.s32 s2, $0x0  }
0x29: {  	s3 =	rddreg [dreg:$0x2];
	[bflag:$0x3] =	sbarrier.arrive $0xFFFF;
	s2 =	simm.s32 @!p0 $0x1C02  }
0x2a: {  	[timem:s3], [sflag:s2] =	dma.local @!p0 [hbm:s0], s1  }
0x2b: {  	s0 =	simm.s32 @!p0 $0x2  }
0x2c: {  	_ =	swait.ge @!p0 [sflag:s0], s1  }
0x2d: {  	s1 =	ssub.s32 @!p0 $0x0, s1;
	[sflag:s0] =	ssyncset.done @!p0 $0x0  }
0x2e: {  	[sflag:s0] =	ssyncadd.s32 @!p0 s1  }
0x2f: {  	[bflag:$0x3] =	sbarrier.arrive $0xFFFF  }
0x30: {  	_ =	shalt  }

</sc_bundles>
